<compile_context>
chip_gen: v7x
topology: tpu7x:2x2x1
jax: 0.10.2.dev20260603
libtpu: 0.0.44.dev20260713+nightly
codegen_flags: <defaults>
</compile_context>

<pallas_src>
import functools

import jax
import jax.numpy as jnp
from jax import lax
from jax.experimental import pallas as pl
from jax.experimental.pallas import tpu as pltpu, tpu_sc as plsc

_L = 16
_NW = 32
_TABLE_PAD = 128


@functools.cache
def _build(chunk: int):
    npad = chunk * _NW
    mesh = plsc.VectorSubcoreMesh(core_axis_name="c", subcore_axis_name="s")

    @functools.partial(
        pl.kernel,
        mesh=mesh,
        compiler_params=pltpu.CompilerParams(needs_layout_passes=False),
        out_type=jax.ShapeDtypeStruct((npad,), jnp.float32),
        scratch_types=[
            pltpu.VMEM((chunk,), jnp.int32),
            pltpu.VMEM((chunk,), jnp.float32),
            pltpu.VMEM((_TABLE_PAD,), jnp.float32),
        ],
    )
    def k(idx_hbm, table_hbm, out_hbm, idx_v, out_v, table_v):
        wid = lax.axis_index("s") * 2 + lax.axis_index("c")
        base = wid * chunk
        pltpu.sync_copy(table_hbm, table_v)
        pltpu.sync_copy(idx_hbm.at[pl.ds(base, chunk)], idx_v)

        @plsc.parallel_loop(0, chunk, step=_L, unroll=8)
        def body(off):
            off = pl.multiple_of(off, _L)
            iv = idx_v[pl.ds(off, _L)]
            vals = plsc.load_gather(table_v, [iv])
            out_v[pl.ds(off, _L)] = vals
        pltpu.sync_copy(out_v, out_hbm.at[pl.ds(base, chunk)])

    return k


def kernel(at_no, shifts):
    n = at_no.shape[0]
    grain = _NW * _L
    npad = ((n + grain - 1) // grain) * grain
    chunk = npad // _NW
    idx = jnp.pad(at_no.astype(jnp.int32), (0, npad - n))
    table = jnp.pad(shifts.reshape(-1).astype(jnp.float32),
                    (0, _TABLE_PAD - shifts.shape[0]))
    out = _build(chunk)(idx, table)
    return out[:n].reshape(n, 1)

# --- scband reference (transcript-rebuilt; emitter-appended) ---
"""Pipeline reference for scband-element-shifts-85899345920425 (READ-ONLY COPY).

The authoritative reference and input builder live on the scoring server;
editing this copy changes nothing except your own understanding.
"""

import jax, jax.numpy as jnp
import numpy as np

NUM_ELEMENTS = 119
N_ATOMS = 1000000


def setup_inputs(seed: int = 0) -> dict:
    key = jax.random.key(seed)
    k1, k2 = jax.random.split(key)
    # atomic numbers in [0, NUM_ELEMENTS)
    at_no = jax.random.randint(k1, (N_ATOMS,), 0, NUM_ELEMENTS)
    # stand-in for get_atomic_energy(atom_ref) + bias, shape [NUM_ELEMENTS, 1]
    shifts = jax.random.normal(k2, (NUM_ELEMENTS, 1), dtype=jnp.float32)
    return {"at_no": at_no, "shifts": shifts}


def reference(at_no, shifts):
    # ElementShifts.forward: self.shifts(at_no) -> embedding lookup
    return jnp.take(shifts, at_no, axis=0)

if __name__ == "__main__":
    import jax
    _d = setup_inputs()
    print(jax.jit(kernel)(*tuple(_d.values())))

</pallas_src>

<mosaic_0001>
#map = affine_map<(d0, d1) -> (0)>
module attributes {stable_mosaic.version = 14 : i64} {
  func.func @k(%arg0: i32, %arg1: i32, %arg2: memref<1000448xi32, #tpu.memory_space<hbm>>, %arg3: memref<128xf32, #tpu.memory_space<hbm>>, %arg4: memref<1000448xf32, #tpu.memory_space<hbm>>, %arg5: memref<31264xi32, #tpu.memory_space<vmem>>, %arg6: memref<31264xf32, #tpu.memory_space<vmem>>, %arg7: memref<128xf32, #tpu.memory_space<vmem>>) attributes {dimension_semantics = [#tpu.dimension_semantics<core_parallel>, #tpu.dimension_semantics<subcore_parallel>], iteration_bounds = array<i64: 2, 16>, scalar_prefetch = 0 : i64, scratch_operands = 3 : i64, tpu.core_type = #tpu.core_type<sc_vector_subcore>, window_params = [{transform_indices = #map}, {transform_indices = #map}, {transform_indices = #map}]} {
    %mul3A = arith.constant 2 : i32
    %mul3A_0 = arith.muli %arg1, %mul3A : i32
    %add3A = arith.addi %mul3A_0, %arg0 : i32
    %mul3A_1 = arith.constant 31264 : i32
    %mul3A_2 = arith.muli %add3A, %mul3A_1 : i32
    "tpu.region"() ({
      %run_scoped3A = tpu.sem_alloc : memref<!tpu.dma_semaphore, #tpu.memory_space<semaphore_mem>>
      tpu.enqueue_dma source(%arg3 : memref<128xf32, #tpu.memory_space<hbm>>) target(%arg7 : memref<128xf32, #tpu.memory_space<vmem>>) target_semaphore(%run_scoped3A : memref<!tpu.dma_semaphore, #tpu.memory_space<semaphore_mem>>)
      tpu.wait_dma2 semaphore(%run_scoped3A : memref<!tpu.dma_semaphore, #tpu.memory_space<semaphore_mem>>) src(%arg3 : memref<128xf32, #tpu.memory_space<hbm>>) dst(%arg7 : memref<128xf32, #tpu.memory_space<vmem>>)
      tpu.yield
    }) : () -> ()
    "tpu.region"() ({
      %run_scoped3A = tpu.sem_alloc : memref<!tpu.dma_semaphore, #tpu.memory_space<semaphore_mem>>
      %dma_start3A = tpu.memref_slice %arg2[%mul3A_2] : memref<1000448xi32, #tpu.memory_space<hbm>> -> memref<31264xi32, #tpu.memory_space<hbm>>
      %dma_start3A_5 = tpu.memref_slice %arg2[%mul3A_2] : memref<1000448xi32, #tpu.memory_space<hbm>> -> memref<31264xi32, #tpu.memory_space<hbm>>
      tpu.enqueue_dma source(%dma_start3A_5 : memref<31264xi32, #tpu.memory_space<hbm>>) target(%arg5 : memref<31264xi32, #tpu.memory_space<vmem>>) target_semaphore(%run_scoped3A : memref<!tpu.dma_semaphore, #tpu.memory_space<semaphore_mem>>)
      %dma_wait3A = tpu.memref_slice %arg2[%mul3A_2] : memref<1000448xi32, #tpu.memory_space<hbm>> -> memref<31264xi32, #tpu.memory_space<hbm>>
      %dma_wait3A_6 = tpu.memref_slice %arg2[%mul3A_2] : memref<1000448xi32, #tpu.memory_space<hbm>> -> memref<31264xi32, #tpu.memory_space<hbm>>
      tpu.wait_dma2 semaphore(%run_scoped3A : memref<!tpu.dma_semaphore, #tpu.memory_space<semaphore_mem>>) src(%dma_wait3A_6 : memref<31264xi32, #tpu.memory_space<hbm>>) dst(%arg5 : memref<31264xi32, #tpu.memory_space<vmem>>)
      tpu.yield
    }) : () -> ()
    %parallel_loop3A = arith.constant 0 : i32
    %parallel_loop3A_3 = arith.constant 31264 : i32
    %parallel_loop3A_4 = arith.constant 16 : i32
    scf.for %parallel_loop3A_5 = %parallel_loop3A to %parallel_loop3A_3 step %parallel_loop3A_4  : i32 {
      %parallel_loop3A_6 = tpu.assume_multiple %parallel_loop3A_5, 16 : i32
      %parallel_loop3A_7 = arith.index_cast %parallel_loop3A_6 : i32 to index
      %parallel_loop3A_8 = tpu.vector_load %arg5[%parallel_loop3A_7] {strides = array<i32>} : memref<31264xi32, #tpu.memory_space<vmem>>, vector<16xi32>,
      %parallel_loop3A_9 = tpu.vector_load_idx %arg7[%parallel_loop3A_8] : memref<128xf32, #tpu.memory_space<vmem>>[vector<16xi32>], vector<16xf32>,
      %parallel_loop3A_10 = arith.index_cast %parallel_loop3A_6 : i32 to index
      %parallel_loop3A_11 = tpu.vector_load %arg6[%parallel_loop3A_10] {strides = array<i32>} : memref<31264xf32, #tpu.memory_space<vmem>>, vector<16xf32>,
      tpu.vector_store %arg6[%parallel_loop3A_10], %parallel_loop3A_9 {strides = array<i32>} : memref<31264xf32, #tpu.memory_space<vmem>>, vector<16xf32>,
    } {sc.loop_unroll_factor = 8 : i64, sc.parallel_access}
    "tpu.region"() ({
      %run_scoped3A = tpu.sem_alloc : memref<!tpu.dma_semaphore, #tpu.memory_space<semaphore_mem>>
      %dma_start3A = tpu.memref_slice %arg4[%mul3A_2] : memref<1000448xf32, #tpu.memory_space<hbm>> -> memref<31264xf32, #tpu.memory_space<hbm>>
      %dma_start3A_5 = tpu.memref_slice %arg4[%mul3A_2] : memref<1000448xf32, #tpu.memory_space<hbm>> -> memref<31264xf32, #tpu.memory_space<hbm>>
      tpu.enqueue_dma source(%arg6 : memref<31264xf32, #tpu.memory_space<vmem>>) target(%dma_start3A_5 : memref<31264xf32, #tpu.memory_space<hbm>>) target_semaphore(%run_scoped3A : memref<!tpu.dma_semaphore, #tpu.memory_space<semaphore_mem>>)
      %dma_wait3A = tpu.memref_slice %arg4[%mul3A_2] : memref<1000448xf32, #tpu.memory_space<hbm>> -> memref<31264xf32, #tpu.memory_space<hbm>>
      %dma_wait3A_6 = tpu.memref_slice %arg4[%mul3A_2] : memref<1000448xf32, #tpu.memory_space<hbm>> -> memref<31264xf32, #tpu.memory_space<hbm>>
      tpu.wait_dma2 semaphore(%run_scoped3A : memref<!tpu.dma_semaphore, #tpu.memory_space<semaphore_mem>>) src(%arg6 : memref<31264xf32, #tpu.memory_space<vmem>>) dst(%dma_wait3A_6 : memref<31264xf32, #tpu.memory_space<hbm>>)
      tpu.yield
    }) : () -> ()
    return
  }
}

</mosaic_0001>

<sc_bundles>
// kernel: kernel.3.cloned.1.call-start
scs
__scs_entry_jumppad:
0x0: {  	(pc) =	sbr.rel $0x88, $3  }
0x1: {  	(tag) =	ssettag $0x0;
	lr =	simm.s32 $0x1  }
0x2: {  	[smem:$0x3F9F] =	sst lr;
	_ =	strace $0xD0000000  }
0x3: {  	_ = 	snop  }
0x4: {  	_ = 	snop  }
0x5: {  	_ = 	snop  }
0x6: {  	_ = 	snop  }
0x7: {  	_ = 	snop  }
__scs_overlays_trampoline_lowered:
0x8: {  	[smem:$0x3FAE] =	sst s0  }
0x9: {  	[smem:$0x3FAF] =	sst s1  }
0xa: {  	[smem:$0x3FB0] =	sst s2  }
0xb: {  	[smem:$0x3FB1] =	sst s3  }
0xc: {  	[smem:$0x3FB2] =	sst s4  }
0xd: {  	[smem:$0x3FB3] =	sst s5  }
0xe: {  	[smem:$0x3FB4] =	sst s6  }
0xf: {  	[smem:$0x3FB5] =	sst s7  }
0x10: {  	[smem:$0x3FB6] =	sst s8  }
0x11: {  	[smem:$0x3FB7] =	sst s9;
	s0 =	simm.s32 @!p0 $0x0  }
0x12: {  	s1 =	sld [smem:$0x3F9D];
	s0 =	simm.s32 @p0 $0x1  }
0x13: {  	[smem:$0x3FB8] =	sst s0;
	s0 =	simm.s32 @!p1 $0x0  }
0x14: {  	s2 =	sld [smem:$0x3F9C];
	s0 =	simm.s32 @p1 $0x1  }
0x15: {  	[smem:$0x3FB9] =	sst s0;
	s0 =	simm.s32 @!p2 $0x0  }
0x16: {  	s3 =	sld [smem:$0x3FDB];
	s0 =	simm.s32 @p2 $0x1  }
0x17: {  	s4 =	simm.s32 $0x1BF5;
	[smem:$0x3FBB] =	sst s0  }
0x18: {  	s0 =	sld [smem:$0x3F9E];
	_ =	swait.ge [sflag:s4], $0x0  }
0x19: {  	s7 =	sld [smem:$0x3F9F]  }
0x1a: {  	s8 =	sadd.s32 $0xFFFFE003, lr  }
0x1b: {  	s9 =	sadd.s32 $0xFFFFFEF7, lr;
	s5 =	simm.s32 $0xFFFFFFFF;
	p2 =	slt.u32 s8, $0xFFFFF086  }
0x1c: {  	p1 =	slt.u32 s9, $0xF7A;
	s5 =	simm.s32 @!p2 $0x0  }
0x1d: {  	s5 =	simm.s32 @p1 $0x1;
	p0 =	seq.s32 s7, s2  }
0x1e: {  	s7 =	smul.u32 @!p0 $0xF7A, s2;
	p2 =	seq.s32 @!p0 s5, $0x0  }
0x1f: {  	s9 =	smul.u32 $0xF7A, s1;
	s8 =	simm.s32 @!p0 $0x1BF5;
	p2 =	por !p2, p0  }
0x20: {  	[sflag:s8] =	ssyncset.s32 @!p0 $0xFFFFF086;
	s6 =	sadd.s32 @!p0 s3, s7;
	s7 =	simm.s32 @!p0 $0x108  }
0x21: {  	s3 =	sadd.s32 s3, s9;
	s6 =	sadd.s32 @!p0 $0x88, s6;
	s7 =	simm.s32 @p2 $0x1082  }
0x22: {  	[simem:s7], [sflag:s8] =	dma.local @!p0 [hbm:s6], $0xF7A  }
0x23: {  	s9 =	sor.u32 $0xD0000000, s2;
	s6 =	simm.s32 $0x108;
	_ =	swait.ge @!p0 [sflag:s8], $0x0  }
0x24: {  	s3 =	sadd.s32 $0x88, s3;
	s6 =	simm.s32 @!p1 $0x1082;
	[sflag:s4] =	ssyncset.s32 $0xFFFFF086  }
0x25: {  	[simem:s6], [sflag:s4] =	dma.local [hbm:s3], $0xF7A  }
0x26: {  	[smem:$0x3F9F] =	sst s1;
	(tag) =	ssettag s2;
	_ =	strace s9  }
0x27: {  	s1 =	sld [smem:$0x3FAF]  }
0x28: {  	s2 =	sld [smem:$0x3FB0]  }
0x29: {  	s4 =	sld [smem:$0x3FB2]  }
0x2a: {  	p0 =	seq.s32 s5, $0x0;
	s5 =	sld [smem:$0x3FB3]  }
0x2b: {  	s6 =	sld [smem:$0x3FB4]  }
0x2c: {  	s7 =	sld [smem:$0x3FB5]  }
0x2d: {  	s3 =	simm.s32 $0x108;
	s8 =	sld [smem:$0x3FB6]  }
0x2e: {  	s3 =	simm.s32 @!p0 $0x1082;
	s9 =	sld [smem:$0x3FB7]  }
0x2f: {  	lr =	sadd.s32 s0, s3;
	s0 =	sld [smem:$0x3FAE]  }
0x30: {  	s3 =	sld [smem:$0x3FB1]  }
0x31: {  	[smem:$0x3FBA] =	sst s10  }
0x32: {  	s10 =	sld [smem:$0x3FB8];
	_ =	sdelay $0x3  }
0x33: {  	p0 =	seq.s32 s10, $0x1;
	s10 =	sld [smem:$0x3FBA];
	_ =	sdelay $0x3  }
0x34: {  	[smem:$0x3FBA] =	sst s10  }
0x35: {  	s10 =	sld [smem:$0x3FB9];
	_ =	sdelay $0x3  }
0x36: {  	p1 =	seq.s32 s10, $0x1;
	s10 =	sld [smem:$0x3FBA];
	_ =	sdelay $0x3  }
0x37: {  	[smem:$0x3FBA] =	sst s10  }
0x38: {  	s10 =	sld [smem:$0x3FBB]  }
0x39: {  	_ = 	snop;
	(pc) =	sbr.ind lr, $3  }
0x3a: {  	_ = 	snop  }
0x3b: {  	_ = 	snop  }
0x3c: {  	p2 =	seq.s32 s10, $0x1;
	s10 =	sld [smem:$0x3FBA]  }
0x3d: {  	_ =	shalt  }
0x3e: {  	_ =	shalt  }
0x3f: {  	_ =	shalt  }
0x40: {  	_ =	shalt  }
0x41: {  	_ =	shalt  }
0x42: {  	_ =	shalt  }
0x43: {  	_ =	shalt  }
0x44: {  	_ =	shalt  }
0x45: {  	_ =	shalt  }
0x46: {  	_ =	shalt  }
0x47: {  	_ =	shalt  }
0x48: {  	_ =	shalt  }
0x49: {  	_ =	shalt  }
0x4a: {  	_ =	shalt  }
0x4b: {  	_ =	shalt  }
0x4c: {  	_ =	shalt  }
0x4d: {  	_ =	shalt  }
0x4e: {  	_ =	shalt  }
0x4f: {  	_ =	shalt  }
0x50: {  	_ =	shalt  }
0x51: {  	_ =	shalt  }
0x52: {  	_ =	shalt  }
0x53: {  	_ =	shalt  }
0x54: {  	_ =	shalt  }
0x55: {  	_ =	shalt  }
0x56: {  	_ =	shalt  }
0x57: {  	_ =	shalt  }
0x58: {  	_ =	shalt  }
0x59: {  	_ =	shalt  }
0x5a: {  	_ =	shalt  }
0x5b: {  	_ =	shalt  }
0x5c: {  	_ =	shalt  }
0x5d: {  	_ =	shalt  }
0x5e: {  	_ =	shalt  }
0x5f: {  	_ =	shalt  }
0x60: {  	_ =	shalt  }
0x61: {  	_ =	shalt  }
0x62: {  	_ =	shalt  }
0x63: {  	_ =	shalt  }
0x64: {  	_ =	shalt  }
0x65: {  	_ =	shalt  }
0x66: {  	_ =	shalt  }
0x67: {  	_ =	shalt  }
0x68: {  	_ =	shalt  }
0x69: {  	_ =	shalt  }
0x6a: {  	_ =	shalt  }
0x6b: {  	_ =	shalt  }
0x6c: {  	_ =	shalt  }
0x6d: {  	_ =	shalt  }
0x6e: {  	_ =	shalt  }
0x6f: {  	_ =	shalt  }
0x70: {  	_ =	shalt  }
0x71: {  	_ =	shalt  }
0x72: {  	_ =	shalt  }
0x73: {  	_ =	shalt  }
0x74: {  	_ =	shalt  }
0x75: {  	_ =	shalt  }
0x76: {  	_ =	shalt  }
0x77: {  	_ =	shalt  }
0x78: {  	_ =	shalt  }
0x79: {  	_ =	shalt  }
0x7a: {  	_ =	shalt  }
0x7b: {  	_ =	shalt  }
0x7c: {  	_ =	shalt  }
0x7d: {  	_ =	shalt  }
0x7e: {  	_ =	shalt  }
0x7f: {  	_ =	shalt  }
0x80: {  	_ =	shalt  }
0x81: {  	_ =	shalt  }
0x82: {  	_ =	shalt  }
0x83: {  	_ =	shalt  }
0x84: {  	_ =	shalt  }
0x85: {  	_ =	shalt  }
0x86: {  	_ =	shalt  }
0x87: {  	_ =	shalt  }
.Lfunc_end0:
.L_simem_size_0:
called_computation_lowered:
.L_overlay_start_0:
0x88: {  	s2 =	sld [smem:$0x3FD9]  }
0x89: {  	s3 =	sld [smem:$0x3FFE];
	_ =	sdelay $0x1  }
0x8a: {  	s1 =	srdreg.scid  }
0x8b: {  	s0 =	sand.u32 $0x1, s1  }
0x8c: {  	s17 =	sshll.u32 s0, $0xA;
	s2 =	sadd.s32 s3, s2  }
0x8d: {  	s2 =	sadd.s32 s2, s17  }
0x8e: {  	[smem:$0x3FC6] =	sst s2  }
0x8f: {  	_ = 	snop  }
0x90: {  	s2 =	sld [smem:$0x3FD0];
	(tm) =	ssettm $0x1  }
0x91: {  	s18 =	sld [smem:$0x3FFB];
	_ =	sdelay $0x3  }
0x92: {  	_ =	strace s18  }
0x93: {  	s3 =	sld [smem:$0x3FFC];
	_ =	sdelay $0x3  }
0x94: {  	_ =	strace s3  }
0x95: {  	s3 =	sld [smem:$0x3FFD];
	_ =	sdelay $0x3  }
0x96: {  	_ =	strace s3  }
0x97: {  	_ =	strace $0x8FFFFFFF  }
0x98: {  	s19 =	sld [smem:$0x3FDB];
	_ =	sdelay $0x1  }
0x99: {  	s4 =	simm.s32 $_scs_section_size  }
0x9a: {  	s5 =	simm.s32 $_size__tile_overlayer_lowered;
	s6 =	simm.s32 $_tile_overlayer_lowered  }
0x9b: {  	s22 =	simm.s32 $0x1BFF;
	s21 =	sshll.u32 s6, $0x1;
	s3 =	sadd.s32 s4, s19  }
0x9c: {  	s7 =	simm.s32 $0x0;
	s20 =	sshll.u32 s5, $0x1;
	s5 =	sadd.s32 s21, s3  }
0x9d: {  	[timem:s7], [sflag:s22] =	dma.local [hbm:s5], s20  }
0x9e: {  	_ =	swait.ge [sflag:s22], s20  }
0x9f: {  	s4 =	ssub.s32 $0x0, s20;
	[sflag:s22] =	ssyncset.done $0x0  }
0xa0: {  	[sflag:s22] =	ssyncadd.s32 s4;
	_ =	sdelay $0x1  }
0xa1: {  	s23 =	simm.s32 $0x1B8B  }
0xa2: {  	_ =	swait.ge [sflag:s23], $0x1  }
0xa3: {  	[sflag:s23] =	ssyncset.done $0x0  }
0xa4: {  	s25 =	simm.s32 $0x1B8E;
	s24 =	sld [smem:$0x3FFE];
	[sflag:s23] =	ssyncadd.s32 $0xFFFFFFFF  }
0xa5: {  	s26 =	simm.s32 $execute0_lowered;
	[smem:$0x3FD2] =	sst s25  }
0xa6: {  	s5 =	sshll.u32 s26, $0x1;
	_ =	strace $0x80000046;
	[dreg:$0x1] =	wrdreg $0xFFFFFFFF  }
0xa7: {  	s28 =	simm.s32 $_size_execute0_lowered;
	s3 =	sadd.s32 s3, s5;
	[dreg:$0x0] =	wrdreg $0x0  }
0xa8: {  	s5 =	sshll.u32 s28, $0x1;
	[dreg:$0x2] =	wrdreg s3  }
0xa9: {  	[dreg:$0x3] =	wrdreg s5  }
0xaa: {  	[dreg:$0x4] =	wrdreg $0xC0  }
0xab: {  	_ =	task [dreg:s7], $0x5FFFF  }
0xac: {  	[dreg:$0x1] =	wrdreg $0xFFFFFFFF  }
0xad: {  	[dreg:$0x0] =	wrdreg $0x60  }
0xae: {  	[dreg:$0x2] =	wrdreg s24  }
0xaf: {  	[dreg:$0x3] =	wrdreg s2  }
0xb0: {  	[dreg:$0x4] =	wrdreg $0x9  }
0xb1: {  	_ =	task.clear_ibuf [dreg:s7], $0x5FFFF;
	_ =	strace $0x90000046  }
0xb2: {  	s29 =	simm.s32 $0x9;
	_ =	strace $0x80000048  }
0xb3: {  	_ =	swait.ge [sflag:s29], $0x1  }
0xb4: {  	[sflag:s29] =	ssyncadd.s32 $0xFFFFFFFF  }
0xb5: {  	_ =	strace $0x90000048  }
0xb6: {  	_ =	sfence  }
0xb7: {  	s30 =	sld [smem:$0x0];
	_ =	sdelay $0x2  }
0xb8: {  	s31 =	sshll.u32 s1, $0xD;
	s1 =	sshrl.u32 s1, $0x2  }
0xb9: {  	s3 =	sand.u32 $0x4000, s31;
	s1 =	sadd.s32 s1, s30  }
0xba: {  	s0 =	sor.u32 s3, s0;
	s1 =	sshll.u32 s1, $0x11  }
0xbb: {  	s0 =	sor.u32 s1, s0  }
0xbc: {  	s0 =	sadd.s32 $0x8F2B, s0  }
0xbd: {  	[sflag:s0] =	ssyncadd.remote.s32 $0x1  }
0xbe: {  	_ =	sfence.sel $0xFFFF  }
0xbf: {  	[dreg:$0x0] =	wrdreg $0xFFFFFFFF;
	(pc) =	sbr.abs _section_cstart, $3  }
0xc0: {  	[dreg:$0x1] =	wrdreg $0xFFFFFFFF  }
0xc1: {  	_ =	task.clear_ibuf [dreg:s7], $0x2FFFF;
	_ =	strace $0x9FFFFFFF  }
0xc2: {  	(tm) =	ssettm $0x7FFFFFFF  }
0xc3: {  	_ =	shalt  }
tec
execute0_lowered:
.L_overlay_start_1:
0x0: {  	(tag) =	ssettag $0x1  }
0x1: {  	s1 =	srdreg.scid;
	s5 =	rddreg [dreg:$0x0]  }
0x2: {  	s0 =	stileid.u32;
	s2 =	rddreg [dreg:$0x1];
	s3 =	simm.s32 $0x0  }
0x3: {  	s7 =	simm.s32 $0xF500;
	s4 =	sand.u32 $0x1, s1;
	s30 =	sshll.u32 s0, $0x1  }
0x4: {  	s8 =	simm.s32 $0x1;
	s9 =	simm.s32 $0x7A80;
	s1 =	sor.u32 s4, s30  }
0x5: {  	[smem:$0x7FF] =	sst s3;
	s4 =	ssub.s32 $0x2, s4;
	s6 =	smul.u32 $0xF44, s1  }
0x6: {  	s10 =	simm.s32 $0x0;
	s1 =	rddreg [dreg:$0x2];
	s31 =	sshrl.u32 s4, $0x1  }
0x7: {  	_ =	strace $0x80000047;
	s5 =	sadd.s32 s6, s5;
	s6 =	ssub.s32 s4, s31  }
0x8: {  	s4 =	sadd.s32 $0x400, s5;
	s5 =	sadd.s32 $0x1EE00, s5;
	s6 =	smax.u32 s6, $0x1  }
.LBB2_1:
0x9: {  	[tilespmem:s7], [sflag:$0x1] =	stream.linear.gather [hbm4b:s2+s3], $0x80, $0x38;
	[tilespmem:$0xF580] =	vst v63  }
0xa: {  	_ =	swait.ge [sflag:s8], $0x80  }
0xb: {  	[sflag:s8] =	ssyncset.done $0x0  }
0xc: {  	[sflag:s8] =	ssyncadd.s32 $0xFFFFFF80  }
0xd: {  	[tilespmem:s3], [sflag:$0x1] =	stream.linear.gather [hbm4b:s4+s3], $0x7A20, $0x38;
	[tilespmem:$0xF580] =	vst v63  }
0xe: {  	_ =	swait.ge [sflag:s8], $0x7A20  }
0xf: {  	[sflag:s8] =	ssyncset.done $0x0  }
0x10: {  	s11 =	simm.s32 $0x40;
	[sflag:s8] =	ssyncadd.s32 $0xFFFF85E0  }
0x11: {  	v0 =	vld [tilespmem:s11+$0x30]  }
0x12: {  	v1 =	vld [tilespmem:s11+$0xFFFFFFD0]  }
0x13: {  	v2 =	vld [tilespmem:s11+$0xFFFFFFE0]  }
0x14: {  	v3 =	vld [tilespmem:s11+$0xFFFFFFF0]  }
0x15: {  	v5 =	vld [tilespmem:s11+$0x0]  }
0x16: {  	v6 =	vld [tilespmem:s11+$0x10]  }
0x17: {  	v7 =	vld [tilespmem:s11+$0x20]  }
0x18: {  	v8 =	vld [tilespmem:s11+$0xFFFFFFC0]  }
0x19: {  	v9 =	vld.idx.msk [tilespmem:v0+s7+$0x0], $0xffff  }
0x1a: {  	v10 =	vld.idx.msk [tilespmem:v1+s7+$0x0], $0xffff  }
0x1b: {  	v4 =	vld.idx.msk [tilespmem:v2+s7+$0x0], $0xffff  }
0x1c: {  	v2 =	vld.idx.msk [tilespmem:v3+s7+$0x0], $0xffff  }
0x1d: {  	v0 =	vld.idx.msk [tilespmem:v5+s7+$0x0], $0xffff  }
0x1e: {  	s14 =	simm.s32 $0x7AC0;
	v1 =	vld.idx.msk [tilespmem:v6+s7+$0x0], $0xffff  }
0x1f: {  	s15 =	simm.s32 $0x0;
	s12 =	simm.s32 $0xF480;
	v3 =	vld.idx.msk [tilespmem:v7+s7+$0x0], $0xffff;
	[tilespmem:s14+$0x30] =	vst v9  }
0x20: {  	s13 =	simm.s32 $0x7A00;
	s16 =	simm.s32 $0xC0;
	s11 =	simm.s32 $0x79F0;
	v5 =	vld.idx.msk [tilespmem:v8+s7+$0x0], $0xffff;
	[tilespmem:s14+$0xFFFFFFD0] =	vst v10  }
.LBB2_2:
0x21: {  	v6 =	vld [tilespmem:s16+$0x30];
	s15 =	sadd.s32 $0x80, s15;
	[tilespmem:s14+$0xFFFFFFE0] =	vst v4  }
0x22: {  	v4 =	vld [tilespmem:s16+$0xFFFFFFD0];
	p0 =	slt.u32 s15, $0x7980;
	[tilespmem:s14+$0xFFFFFFF0] =	vst v2  }
0x23: {  	v2 =	vld [tilespmem:s16+$0xFFFFFFE0];
	[tilespmem:s14+$0x0] =	vst v0  }
0x24: {  	v0 =	vld [tilespmem:s16+$0xFFFFFFF0];
	[tilespmem:s14+$0x10] =	vst v1  }
0x25: {  	v1 =	vld [tilespmem:s16+$0x0];
	[tilespmem:s14+$0x20] =	vst v3  }
0x26: {  	v3 =	vld [tilespmem:s16+$0x10];
	[tilespmem:s14+$0xFFFFFFC0] =	vst v5  }
0x27: {  	v5 =	vld [tilespmem:s16+$0x20]  }
0x28: {  	v7 =	vld [tilespmem:s16+$0xFFFFFFC0]  }
0x29: {  	v6 =	vld.idx.msk [tilespmem:v6+s7+$0x0], $0xffff  }
0x2a: {  	v8 =	vld.idx.msk [tilespmem:v4+s7+$0x0], $0xffff  }
0x2b: {  	v4 =	vld.idx.msk [tilespmem:v2+s7+$0x0], $0xffff  }
.Ltmp0:
0x2c: {  	v2 =	vld.idx.msk [tilespmem:v0+s7+$0x0], $0xffff;
	(pc) =	sbr.rel @p0 .LBB2_2-.Ltmp0, $4  }
0x2d: {  	v0 =	vld.idx.msk [tilespmem:v1+s7+$0x0], $0xffff  }
0x2e: {  	s14 =	sadd.s32 $0x80, s14;
	v1 =	vld.idx.msk [tilespmem:v3+s7+$0x0], $0xffff  }
0x2f: {  	v3 =	vld.idx.msk [tilespmem:v5+s7+$0x0], $0xffff;
	[tilespmem:s14+$0x30] =	vst v6  }
0x30: {  	s16 =	sadd.s32 $0x80, s16;
	v5 =	vld.idx.msk [tilespmem:v7+s7+$0x0], $0xffff;
	[tilespmem:s14+$0xFFFFFFD0] =	vst v8  }
0x31: {  	[tilespmem:s14+$0xFFFFFFE0] =	vst v4  }
0x32: {  	[tilespmem:s14+$0xFFFFFFF0] =	vst v2  }
0x33: {  	[tilespmem:s14+$0x0] =	vst v0  }
0x34: {  	[tilespmem:s14+$0x10] =	vst v1  }
0x35: {  	[tilespmem:s14+$0x20] =	vst v3  }
0x36: {  	[tilespmem:s14+$0xFFFFFFC0] =	vst v5  }
.LBB2_4:
0x37: {  	v0 =	vld [tilespmem:s13+$0x0];
	_ =	sdelay $0x6  }
0x38: {  	s11 =	sadd.s32 $0x10, s11  }
0x39: {  	p0 =	slt.u32 s11, $0x7A10;
	v0 =	vld.idx.msk [tilespmem:v0+s7+$0x0], $0xffff  }
.Ltmp1:
0x3a: {  	_ = 	snop;
	(pc) =	sbr.rel @p0 .LBB2_4-.Ltmp1, $2  }
0x3b: {  	_ =	sdelay $0x2  }
0x3c: {  	s13 =	sadd.s32 $0x10, s13;
	[tilespmem:s12+$0x0] =	vst v0;
	s12 =	sadd.s32 $0x10, s12  }
0x3d: {  	s10 =	sadd.s32 $0x1, s10  }
0x3e: {  	p0 =	sne.s32 s10, s6  }
.Ltmp2:
0x3f: {  	_ = 	snop;
	(pc) =	sbr.rel @p0 .LBB2_1-.Ltmp2, $4  }
0x40: {  	[hbm4b:s5+s3] =	stream.linear.scatter [tilespmem:s9], [sflag:$0x1], $0x7A20, $0x38;
	[tilespmem:$0xF580] =	vst v63  }
0x41: {  	_ =	swait.ge [sflag:s8], $0x7A20  }
0x42: {  	[sflag:s8] =	ssyncset.done $0x0  }
0x43: {  	[sflag:s8] =	ssyncadd.s32 $0xFFFF85E0  }
0x44: {  	_ =	sfence.sel $0x180000  }
0x45: {  	[bflag:$0x0] =	sbarrier.arrive $0xFFFF  }
0x46: {  	p0 =	sne.s32 s0, $0x0;
	_ =	strace $0x90000047  }
0x47: {  	s0 =	sadd.s32 @!p0 $0x100000, s1;
	[bflag:$0x2] =	sbarrier.arrive $0xFFFF  }
0x48: {  	[sflag:s0] =	ssyncadd.tile.s32 @!p0 $0x1;
	_ =	shalt  }
.Lfunc_end2:
_tile_overlayer_lowered:
.L_overlay_start_2:
0x49: {  	(tag) =	ssettag $0x2  }
0x4a: {  	s0 =	rddreg [dreg:$0x0];
	s2 =	stileid.u32  }
0x4b: {  	s1 =	rddreg [dreg:$0x1];
	p0 =	sne.s32 s2, $0x0  }
0x4c: {  	s3 =	rddreg [dreg:$0x2];
	[bflag:$0x3] =	sbarrier.arrive $0xFFFF;
	s2 =	simm.s32 @!p0 $0x1C01  }
0x4d: {  	[timem:s3], [sflag:s2] =	dma.local @!p0 [hbm:s0], s1  }
0x4e: {  	s0 =	simm.s32 @!p0 $0x1  }
0x4f: {  	_ =	swait.ge @!p0 [sflag:s0], s1  }
0x50: {  	s1 =	ssub.s32 @!p0 $0x0, s1;
	[sflag:s0] =	ssyncset.done @!p0 $0x0  }
0x51: {  	[sflag:s0] =	ssyncadd.s32 @!p0 s1  }
0x52: {  	[bflag:$0x3] =	sbarrier.arrive $0xFFFF  }
0x53: {  	_ =	shalt  }

</sc_bundles>
